<compile_context>
chip_gen: v7x
topology: tpu7x:2x2x1
jax: 0.10.2.dev20260603
libtpu: 0.0.44.dev20260713+nightly
codegen_flags: <defaults>
</compile_context>

<pallas_src>
import jax
import jax.numpy as jnp
from jax.experimental import pallas as pl
from jax.experimental.pallas import tpu as pltpu

B, N, D_IN, D_HID, D_OUT = 1024, 50, 768, 1024, 256
EPS = 1e-5
ROWS = B * N
BLK_R = 1600


def _mlp_block_kernel(x_ref, w1_ref, w2_ref, out_ref):
    x = x_ref[...].astype(jnp.bfloat16)
    h = jnp.dot(x, w1_ref[...], preferred_element_type=jnp.float32)
    v = jnp.mean(h * h, axis=-1, keepdims=True)
    h = h * jax.lax.rsqrt(v + EPS)
    h = h * (0.5 * jnp.tanh(0.5 * h) + 0.5)
    y = jnp.dot(h.astype(jnp.bfloat16), w2_ref[...],
                preferred_element_type=jnp.float32)
    v2 = jnp.mean(y * y, axis=-1, keepdims=True)
    out_ref[...] = y * jax.lax.rsqrt(v2 + EPS)


def kernel(raw_input_embeddings, W1, b1, g1, be1, W2, b2, g2, be2):
    W1c = (W1 - jnp.mean(W1, axis=1, keepdims=True)).astype(jnp.bfloat16)
    W2c = (W2 - jnp.mean(W2, axis=1, keepdims=True)).astype(jnp.bfloat16)

    x2 = raw_input_embeddings.reshape(ROWS, D_IN)
    rep = lambda shape: pl.BlockSpec(shape, lambda i: (0,) * len(shape))
    out = pl.pallas_call(
        _mlp_block_kernel,
        grid=(ROWS // BLK_R,),
        in_specs=[
            pl.BlockSpec((BLK_R, D_IN), lambda i: (i, 0)),
            rep((D_IN, D_HID)),
            rep((D_HID, D_OUT)),
        ],
        out_specs=pl.BlockSpec((BLK_R, D_OUT), lambda i: (i, 0)),
        out_shape=jax.ShapeDtypeStruct((ROWS, D_OUT), jnp.float32),
        compiler_params=pltpu.CompilerParams(
            dimension_semantics=("parallel",)),
    )(x2, W1c, W2c)
    return out.reshape(B, N, D_OUT)

# --- scband reference (transcript-rebuilt; emitter-appended) ---
"""Pipeline reference for scband-multi-domain-precomputed-embedding-module-44736379355669 (READ-ONLY COPY).

The authoritative reference and input builder live on the scoring server;
editing this copy changes nothing except your own understanding.
"""

import jax, jax.numpy as jnp
import numpy as np

B, N, D_IN, D_HID, D_OUT = 1024, 50, 768, 1024, 256
EPS = 1e-5

def _layer_norm(x, gamma, beta):
    m = jnp.mean(x, axis=-1, keepdims=True)
    v = jnp.mean((x - m) ** 2, axis=-1, keepdims=True)
    return (x - m) / jnp.sqrt(v + EPS) * gamma + beta

def _xavier_uniform(key, fan_in, fan_out):
    limit = float(np.sqrt(6.0 / (fan_in + fan_out)))
    return jax.random.uniform(key, (fan_in, fan_out), dtype=jnp.float32, minval=-limit, maxval=limit)

def setup_inputs(seed: int = 0) -> dict:
    key = jax.random.key(seed)
    k_x, k_w1, k_w2 = jax.random.split(key, 3)
    x = jax.random.normal(k_x, (B, N, D_IN), dtype=jnp.float32)
    W1 = _xavier_uniform(k_w1, D_IN, D_HID)
    b1 = jnp.zeros((D_HID,), dtype=jnp.float32)
    g1 = jnp.ones((D_HID,), dtype=jnp.float32)
    be1 = jnp.zeros((D_HID,), dtype=jnp.float32)
    W2 = _xavier_uniform(k_w2, D_HID, D_OUT)
    b2 = jnp.zeros((D_OUT,), dtype=jnp.float32)
    g2 = jnp.ones((D_OUT,), dtype=jnp.float32)
    be2 = jnp.zeros((D_OUT,), dtype=jnp.float32)
    return {"raw_input_embeddings": x, "W1": W1, "b1": b1, "g1": g1, "be1": be1, "W2": W2, "b2": b2, "g2": g2, "be2": be2}

def reference(raw_input_embeddings, W1, b1, g1, be1, W2, b2, g2, be2):
    # proj = Linear(768,1024) -> SwishLayerNorm(1024) -> Linear(1024,256) -> LayerNorm(256)
    h = raw_input_embeddings @ W1 + b1
    h = _layer_norm(h, g1, be1)
    h = h * jax.nn.sigmoid(h)  # swish after layer norm (SwishLayerNorm)
    y = h @ W2 + b2
    return _layer_norm(y, g2, be2)

if __name__ == "__main__":
    import jax
    _d = setup_inputs()
    print(jax.jit(kernel)(*tuple(_d.values())))

</pallas_src>

<mosaic_0001>
module attributes {stable_mosaic.version = 14 : i64} {
  func.func @_mlp_block_kernel(%arg0: i32, %arg1: memref<1600x768xf32, #tpu.memory_space<vmem>>, %arg2: memref<768x1024xbf16, #tpu.memory_space<vmem>>, %arg3: memref<1024x256xbf16, #tpu.memory_space<vmem>>, %arg4: memref<1600x256xf32, #tpu.memory_space<vmem>>) attributes {dimension_semantics = [#tpu.dimension_semantics<parallel>], iteration_bounds = array<i64: 32>, scalar_prefetch = 0 : i64, scratch_operands = 0 : i64, tpu.core_type = #tpu.core_type<tc>, window_params = [{transform_indices = @transform_0, window_bounds = array<i64: 1600, 768>}, {pipeline_mode = #tpu.pipeline_mode<synchronous>, transform_indices = @transform_1, window_bounds = array<i64: 768, 1024>}, {pipeline_mode = #tpu.pipeline_mode<synchronous>, transform_indices = @transform_2, window_bounds = array<i64: 1024, 256>}, {transform_indices = @transform_3, window_bounds = array<i64: 1600, 256>}]} {
    %get3A = arith.constant 0 : index
    %get3A_0 = arith.constant 0 : index
    %get3A_1 = vector.load %arg1[%get3A, %get3A_0] : memref<1600x768xf32, #tpu.memory_space<vmem>>, vector<1600x768xf32>
    %convert_element_type3A = arith.truncf %get3A_1 : vector<1600x768xf32> to vector<1600x768xbf16>
    %get3A_2 = arith.constant 0 : index
    %get3A_3 = arith.constant 0 : index
    %get3A_4 = vector.load %arg2[%get3A_2, %get3A_3] : memref<768x1024xbf16, #tpu.memory_space<vmem>>, vector<768x1024xbf16>
    %dot_general3A = arith.constant dense<0.000000e+00> : vector<1600x1024xf32>
    %dot_general3A_5 = tpu.matmul %convert_element_type3A, %get3A_4, %dot_general3A {dimension_numbers = #tpu.dot_dimension_numbers<[1], [0], [0], [1], [0, 0, 1, 1], [], []>, transpose_lhs_hint = false} : vector<1600x768xbf16>, vector<768x1024xbf16>, vector<1600x1024xf32> -> vector<1600x1024xf32>
    %mul3A = arith.mulf %dot_general3A_5, %dot_general3A_5 : vector<1600x1024xf32>
    %reduce_sum3A = arith.constant dense<0.000000e+00> : vector<1600xf32>
    %reduce_sum3A_6 = vector.multi_reduction <add>, %mul3A, %reduce_sum3A [1] : vector<1600x1024xf32> to vector<1600xf32>
    %broadcast_in_dim3A = vector.shape_cast %reduce_sum3A_6 : vector<1600xf32> to vector<1600x1xf32>
    %div3A = arith.constant 1.024000e+03 : f32
    %div3A_7 = vector.broadcast %div3A : f32 to vector<1600x1xf32>
    %div3A_8 = arith.divf %broadcast_in_dim3A, %div3A_7 : vector<1600x1xf32>
    %add3A = arith.constant 9.99999974E-6 : f32
    %add3A_9 = vector.broadcast %add3A : f32 to vector<1600x1xf32>
    %add3A_10 = arith.addf %div3A_8, %add3A_9 : vector<1600x1xf32>
    %rsqrt3A = math.rsqrt %add3A_10 : vector<1600x1xf32>
    %mul3A_11 = vector.broadcast %rsqrt3A : vector<1600x1xf32> to vector<1600x1024xf32>
    %mul3A_12 = arith.mulf %dot_general3A_5, %mul3A_11 : vector<1600x1024xf32>
    %mul3A_13 = arith.constant 5.000000e-01 : f32
    %mul3A_14 = vector.broadcast %mul3A_13 : f32 to vector<1600x1024xf32>
    %mul3A_15 = arith.mulf %mul3A_14, %mul3A_12 : vector<1600x1024xf32>
    %tanh3A = math.tanh %mul3A_15 : vector<1600x1024xf32>
    %mul3A_16 = arith.constant 5.000000e-01 : f32
    %mul3A_17 = vector.broadcast %mul3A_16 : f32 to vector<1600x1024xf32>
    %mul3A_18 = arith.mulf %mul3A_17, %tanh3A : vector<1600x1024xf32>
    %add3A_19 = arith.constant 5.000000e-01 : f32
    %add3A_20 = vector.broadcast %add3A_19 : f32 to vector<1600x1024xf32>
    %add3A_21 = arith.addf %mul3A_18, %add3A_20 : vector<1600x1024xf32>
    %mul3A_22 = arith.mulf %mul3A_12, %add3A_21 : vector<1600x1024xf32>
    %convert_element_type3A_23 = arith.truncf %mul3A_22 : vector<1600x1024xf32> to vector<1600x1024xbf16>
    %get3A_24 = arith.constant 0 : index
    %get3A_25 = arith.constant 0 : index
    %get3A_26 = vector.load %arg3[%get3A_24, %get3A_25] : memref<1024x256xbf16, #tpu.memory_space<vmem>>, vector<1024x256xbf16>
    %dot_general3A_27 = arith.constant dense<0.000000e+00> : vector<1600x256xf32>
    %dot_general3A_28 = tpu.matmul %convert_element_type3A_23, %get3A_26, %dot_general3A_27 {dimension_numbers = #tpu.dot_dimension_numbers<[1], [0], [0], [1], [0, 0, 1, 1], [], []>, transpose_lhs_hint = false} : vector<1600x1024xbf16>, vector<1024x256xbf16>, vector<1600x256xf32> -> vector<1600x256xf32>
    %mul3A_29 = arith.mulf %dot_general3A_28, %dot_general3A_28 : vector<1600x256xf32>
    %reduce_sum3A_30 = arith.constant dense<0.000000e+00> : vector<1600xf32>
    %reduce_sum3A_31 = vector.multi_reduction <add>, %mul3A_29, %reduce_sum3A_30 [1] : vector<1600x256xf32> to vector<1600xf32>
    %broadcast_in_dim3A_32 = vector.shape_cast %reduce_sum3A_31 : vector<1600xf32> to vector<1600x1xf32>
    %div3A_33 = arith.constant 2.560000e+02 : f32
    %div3A_34 = vector.broadcast %div3A_33 : f32 to vector<1600x1xf32>
    %div3A_35 = arith.divf %broadcast_in_dim3A_32, %div3A_34 : vector<1600x1xf32>
    %add3A_36 = arith.constant 9.99999974E-6 : f32
    %add3A_37 = vector.broadcast %add3A_36 : f32 to vector<1600x1xf32>
    %add3A_38 = arith.addf %div3A_35, %add3A_37 : vector<1600x1xf32>
    %rsqrt3A_39 = math.rsqrt %add3A_38 : vector<1600x1xf32>
    %mul3A_40 = vector.broadcast %rsqrt3A_39 : vector<1600x1xf32> to vector<1600x256xf32>
    %mul3A_41 = arith.mulf %dot_general3A_28, %mul3A_40 : vector<1600x256xf32>
    %swap3A = arith.constant 0 : index
    %swap3A_42 = arith.constant 0 : index
    %swap3A_43 = vector.load %arg4[%swap3A, %swap3A_42] : memref<1600x256xf32, #tpu.memory_space<vmem>>, vector<1600x256xf32>
    tpu.vector_store %arg4[%swap3A, %swap3A_42], %mul3A_41 {strides = array<i32>} : memref<1600x256xf32, #tpu.memory_space<vmem>>, vector<1600x256xf32>,
    return
  }
  func.func @transform_0(%arg0: i32) -> (i32, i32) {
    %c0_i32 = arith.constant 0 : i32
    %c0_i32_0 = arith.constant 0 : i32
    return %arg0, %c0_i32 : i32, i32
  }
  func.func @transform_1(%arg0: i32) -> (i32, i32) {
    %c0_i32 = arith.constant 0 : i32
    %c0_i32_0 = arith.constant 0 : i32
    %c0_i32_1 = arith.constant 0 : i32
    return %c0_i32, %c0_i32_0 : i32, i32
  }
  func.func @transform_2(%arg0: i32) -> (i32, i32) {
    %c0_i32 = arith.constant 0 : i32
    %c0_i32_0 = arith.constant 0 : i32
    %c0_i32_1 = arith.constant 0 : i32
    return %c0_i32, %c0_i32_0 : i32, i32
  }
  func.func @transform_3(%arg0: i32) -> (i32, i32) {
    %c0_i32 = arith.constant 0 : i32
    %c0_i32_0 = arith.constant 0 : i32
    return %arg0, %c0_i32 : i32, i32
  }
}

</mosaic_0001>

<sc_bundles>
// kernel: sparse-core-data-format-call.cloned.1.call-start
scs
called_computation_lowered:
.L_overlay_start_0:
0x0: {  	s2 =	sld [smem:$0x3FD9]  }
0x1: {  	s3 =	sld [smem:$0x3FFE];
	_ =	sdelay $0x1  }
0x2: {  	s1 =	srdreg.scid  }
0x3: {  	s0 =	sand.u32 $0x1, s1  }
0x4: {  	s18 =	sshll.u32 s0, $0xA;
	s2 =	sadd.s32 s3, s2  }
0x5: {  	s2 =	sadd.s32 s2, s18  }
0x6: {  	[smem:$0x3FC5] =	sst s2  }
0x7: {  	_ = 	snop  }
0x8: {  	s2 =	sld [smem:$0x3FD0];
	(tm) =	ssettm $0x1  }
0x9: {  	s19 =	sld [smem:$0x3FFB];
	_ =	sdelay $0x3  }
0xa: {  	_ =	strace s19  }
0xb: {  	s3 =	sld [smem:$0x3FFC];
	_ =	sdelay $0x3  }
0xc: {  	_ =	strace s3  }
0xd: {  	s3 =	sld [smem:$0x3FFD];
	_ =	sdelay $0x3  }
0xe: {  	_ =	strace s3  }
0xf: {  	_ =	strace $0x8FFFFFFF  }
0x10: {  	s20 =	sld [smem:$0x3FDB];
	_ =	sdelay $0x1  }
0x11: {  	s4 =	simm.s32 $_scs_section_size  }
0x12: {  	s5 =	simm.s32 $_size__tile_overlayer_lowered;
	s6 =	simm.s32 $_tile_overlayer_lowered  }
0x13: {  	s23 =	simm.s32 $0x1BFF;
	s22 =	sshll.u32 s6, $0x1;
	s3 =	sadd.s32 s4, s20  }
0x14: {  	s7 =	simm.s32 $0x0;
	s21 =	sshll.u32 s5, $0x1;
	s5 =	sadd.s32 s22, s3  }
0x15: {  	[timem:s7], [sflag:s23] =	dma.local [hbm:s5], s21  }
0x16: {  	_ =	swait.ge [sflag:s23], s21  }
0x17: {  	s4 =	ssub.s32 $0x0, s21;
	[sflag:s23] =	ssyncset.done $0x0  }
0x18: {  	[sflag:s23] =	ssyncadd.s32 s4;
	_ =	sdelay $0x1  }
0x19: {  	s24 =	simm.s32 $0x1B8B  }
0x1a: {  	_ =	swait.ge [sflag:s24], $0x1  }
0x1b: {  	[sflag:s24] =	ssyncset.done $0x0  }
0x1c: {  	s26 =	simm.s32 $0x1B8E;
	s25 =	sld [smem:$0x3FFE];
	[sflag:s24] =	ssyncadd.s32 $0xFFFFFFFF  }
0x1d: {  	s27 =	simm.s32 $execute0_lowered;
	[smem:$0x3FD2] =	sst s26  }
0x1e: {  	s5 =	sshll.u32 s27, $0x1;
	_ =	strace $0x80000046;
	[dreg:$0x1] =	wrdreg $0xFFFFFFFF  }
0x1f: {  	s28 =	simm.s32 $_size_execute0_lowered;
	s3 =	sadd.s32 s3, s5;
	[dreg:$0x0] =	wrdreg $0x0  }
0x20: {  	s5 =	sshll.u32 s28, $0x1;
	[dreg:$0x2] =	wrdreg s3  }
0x21: {  	[dreg:$0x3] =	wrdreg s5  }
0x22: {  	[dreg:$0x4] =	wrdreg $0xC0  }
0x23: {  	_ =	task [dreg:s7], $0x5FFFF  }
0x24: {  	[dreg:$0x1] =	wrdreg $0xFFFFFFFF  }
0x25: {  	[dreg:$0x0] =	wrdreg $0x60  }
0x26: {  	[dreg:$0x2] =	wrdreg s25  }
0x27: {  	[dreg:$0x3] =	wrdreg s2  }
0x28: {  	[dreg:$0x4] =	wrdreg $0x9  }
0x29: {  	_ =	task.clear_ibuf [dreg:s7], $0x5FFFF;
	_ =	strace $0x90000046  }
0x2a: {  	s29 =	simm.s32 $0x9;
	_ =	strace $0x80000048  }
0x2b: {  	_ =	swait.ge [sflag:s29], $0x1  }
0x2c: {  	[sflag:s29] =	ssyncadd.s32 $0xFFFFFFFF  }
0x2d: {  	_ =	strace $0x90000048  }
0x2e: {  	_ =	sfence  }
0x2f: {  	s30 =	sld [smem:$0x0];
	_ =	sdelay $0x2  }
0x30: {  	s31 =	sshll.u32 s1, $0xD;
	s1 =	sshrl.u32 s1, $0x2  }
0x31: {  	s3 =	sand.u32 $0x4000, s31;
	s1 =	sadd.s32 s1, s30  }
0x32: {  	s0 =	sor.u32 s3, s0;
	s1 =	sshll.u32 s1, $0x11  }
0x33: {  	s0 =	sor.u32 s1, s0  }
0x34: {  	s0 =	sadd.s32 $0x8F2B, s0  }
0x35: {  	[sflag:s0] =	ssyncadd.remote.s32 $0x1  }
0x36: {  	_ =	sfence.sel $0xFFFF  }
0x37: {  	[dreg:$0x0] =	wrdreg $0xFFFFFFFF;
	(pc) =	sbr.abs _section_cstart, $3  }
0x38: {  	[dreg:$0x1] =	wrdreg $0xFFFFFFFF  }
0x39: {  	_ =	task.clear_ibuf [dreg:s7], $0x2FFFF;
	_ =	strace $0x9FFFFFFF  }
0x3a: {  	(tm) =	ssettm $0x7FFFFFFF  }
0x3b: {  	_ =	shalt  }
tec
execute0_lowered:
.L_overlay_start_1:
0x0: {  	(tag) =	ssettag $0x1  }
0x1: {  	s2 =	rddreg [dreg:$0x0]  }
0x2: {  	s0 =	stileid.u32;
	s3 =	rddreg [dreg:$0x1]  }
0x3: {  	s6 =	srdreg.scid;
	s31 =	simm.s32 $0x2;
	s19 =	simm.s32 $0x0  }
0x4: {  	s12 =	simm.s32 $0x800;
	s13 =	simm.s32 $0x0;
	s1 =	sshll.u32 s0, $0x7  }
0x5: {  	s17 =	simm.s32 $0x0;
	s18 =	simm.s32 $0x0;
	s4 =	sand.u32 $0x380, s1  }
0x6: {  	s5 =	sshrl.u32 s0, $0x3;
	s6 =	sshll.u32 s6, $0x7;
	s7 =	ssub.s32 $0x400, s4  }
0x7: {  	s6 =	sand.u32 $0x80, s6;
	s9 =	ssub.s32 $0x32, s5;
	s8 =	sand.u32 $0x380, s7  }
0x8: {  	s10 =	sshrl.u32 s9, $0x1;
	p0 =	sne.s32 s8, $0x0;
	s8 =	simm.s32 $0x1  }
0x9: {  	s9 =	sand.u32 $0x1, s9;
	s7 =	sshrl.u32 s7, $0xA;
	s8 =	simm.s32 @!p0 $0x0  }
0xa: {  	s11 =	ssub.s32 $0x100, s6;
	s28 =	sadd.s32 s9, s10;
	s7 =	sadd.s32 s8, s7  }
0xb: {  	s16 =	simm.s32 $0x0;
	s29 =	sshrl.u32 s11, $0x7;
	s8 =	smul.u32 s28, s7  }
.Ltmp0:
0xc: {  	s30 =	sshrl.u32 s11, $0x8;
	s9 =	sand.u32 $0x1, s29;
	(pc) =	sbr.rel .LBB1_1-.Ltmp0, $4  }
0xd: {  	s1 =	rddreg [dreg:$0x2];
	_ =	strace $0x80000047;
	s9 =	sadd.s32 s30, s9  }
0xe: {  	s14 =	smov.u32 s5;
	s7 =	simm.s32 $0x1;
	s8 =	smul.u32 s9, s8  }
0xf: {  	s15 =	smov.u32 s4;
	s11 =	simm.s32 $0x400;
	[sflag:s7] =	ssyncpa.u1 $0x0  }
0x10: {  	[sflag:s31] =	ssyncpa.u1 $0x0;
	s9 =	sshll.u32 s6, $0x3;
	s10 =	sadd.s32 $0x1, s8  }
.LBB1_4:
0x11: {  	_ =	sdelay $0x3  }
0x12: {  	[tilespmem:v0+s22+$0xFFFFFFD0 ss:$0x1] =	vst.idx.msk $0xffff, v6  }
0x13: {  	v56 =	vld.idx.msk [tilespmem:v1+s21+$0x0 ss:$0x1], $0xffff;
	[tilespmem:v0+s22+$0xFFFFFFE0 ss:$0x1] =	vst.idx.msk $0xffff, v4  }
0x14: {  	v57 =	vld.idx.msk [tilespmem:v1+s21+$0xFFFFFF90 ss:$0x1], $0xffff;
	[tilespmem:v0+s22+$0xFFFFFFF0 ss:$0x1] =	vst.idx.msk $0xffff, v2  }
0x15: {  	v58 =	vld.idx.msk [tilespmem:v1+s21+$0xFFFFFFA0 ss:$0x1], $0xffff;
	[tilespmem:v0+s22+$0x0 ss:$0x1] =	vst.idx.msk $0xffff, v3  }
0x16: {  	v59 =	vld.idx.msk [tilespmem:v1+s21+$0xFFFFFFB0 ss:$0x1], $0xffff;
	[tilespmem:v0+s22+$0x10 ss:$0x1] =	vst.idx.msk $0xffff, v5  }
0x17: {  	v60 =	vld.idx.msk [tilespmem:v1+s21+$0xFFFFFFC0 ss:$0x1], $0xffff;
	[tilespmem:v0+s22+$0x20 ss:$0x1] =	vst.idx.msk $0xffff, v7  }
0x18: {  	v61 =	vld.idx.msk [tilespmem:v1+s21+$0xFFFFFFD0 ss:$0x1], $0xffff;
	[tilespmem:v0+s21+$0x30 ss:$0x1] =	vst.idx.msk $0xffff, v56  }
0x19: {  	v62 =	vld.idx.msk [tilespmem:v1+s21+$0xFFFFFFE0 ss:$0x1], $0xffff;
	s29 =	sshll.u32 s18, $0x8;
	[tilespmem:v0+s21+$0xFFFFFFC0 ss:$0x1] =	vst.idx.msk $0xffff, v57  }
0x1a: {  	v63 =	vld.idx.msk [tilespmem:v1+s21+$0xFFFFFFF0 ss:$0x1], $0xffff;
	s19 =	sshll.u32 s19, $0x3;
	s23 =	sshll.u32 s18, $0x7;
	s22 =	sand.u32 $0x3F800, s29;
	[tilespmem:v0+s21+$0xFFFFFFD0 ss:$0x1] =	vst.idx.msk $0xffff, v58  }
0x1b: {  	s30 =	sand.u32 $0x300, s23;
	s19 =	sor.u32 s22, s19;
	[tilespmem:v0+s21+$0xFFFFFFE0 ss:$0x1] =	vst.idx.msk $0xffff, v59  }
0x1c: {  	s17 =	sshll.u32 s17, $0xF;
	s31 =	sshll.u32 s18, $0x4;
	s19 =	sor.u32 s30, s19;
	[tilespmem:v0+s21+$0xFFFFFFF0 ss:$0x1] =	vst.idx.msk $0xffff, v60  }
0x1d: {  	s18 =	sand.u32 $0x10, s31;
	s17 =	sadd.s32 s3, s17;
	s19 =	sshrl.u32 s19, $0x3;
	[tilespmem:v0+s21+$0x0 ss:$0x1] =	vst.idx.msk $0xffff, v61  }
0x1e: {  	s17 =	sadd.s32 s18, s17;
	[tilespmem:v0+s21+$0x10 ss:$0x1] =	vst.idx.msk $0xffff, v62;
	s19 =	sand.u32 $0x7FE0, s19  }
0x1f: {  	[tilespmem:v0+s21+$0x20 ss:$0x1] =	vst.idx.msk $0xffff, v63;
	s17 =	sadd.s32 s19, s17  }
0x20: {  	[hbm4b:s17+s11] =	stream.strided.scatter [tilespmem:s20], [sflag:$0x2], $0x4000, s12, s11, $0x38;
	[tilespmem:$0x10000] =	vst v63  }
.LBB1_5:
0x21: {  	s20 =	sadd.s32 $0x2, s14  }
0x22: {  	s17 =	sadd.s32 $0x400, s15;
	s21 =	smov.u32 s15;
	p1 =	sgt.s32 s20, $0x31  }
0x23: {  	s21 =	smov.u32 @p1 s17  }
0x24: {  	s20 =	smov.u32 @p1 s5;
	p1 =	sgt.s32 s21, $0x3FF  }
0x25: {  	s21 =	smov.u32 @p1 s4;
	p1 =	sne.s32 s16, s10  }
.Ltmp1:
0x26: {  	p0 =	slt.u32 s16, $0x2;
	(pc) =	sbr.rel @!p1 .LBB1_6-.Ltmp1, $4  }
0x27: {  	s18 =	smov.u32 s15;
	s19 =	simm.s32 @!p0 $0x2  }
0x28: {  	s13 =	sadd.s32 $0x4000, s13;
	_ =	swait.ge @!p0 [sflag:s19], $0x4000;
	s17 =	smov.u32 s14  }
0x29: {  	[sflag:s19] =	ssyncset.done @!p0 $0x0;
	s14 =	smov.u32 s20;
	s16 =	sadd.s32 $0x1, s16  }
0x2a: {  	[sflag:s19] =	ssyncadd.s32 @!p0 $0xFFFFC000;
	s19 =	smov.u32 s6;
	s15 =	smov.u32 s21  }
.LBB1_1:
0x2b: {  	p0 =	sge.u32 s16, s8  }
0x2c: {  	s20 =	sshll.u32 @!p0 s14, $0x8  }
0x2d: {  	s21 =	sshll.u32 @!p0 s14, $0x7;
	s20 =	sand.u32 @!p0 $0xFFFFF800, s20  }
0x2e: {  	s21 =	sand.u32 @!p0 $0x300, s21;
	s20 =	sor.u32 @!p0 s9, s20  }
0x2f: {  	s20 =	sor.u32 @!p0 s21, s20  }
0x30: {  	s20 =	sshrl.u32 @!p0 s20, $0x8  }
0x31: {  	s21 =	smulhi.u32 @!p0 $0x4924925, s20;
	_ =	sdelay $0x1  }
0x32: {  	s21 =	smul.u32 @!p0 $0x38, s21  }
0x33: {  	s31 =	sadd.s32 $0xFFFFFFFF, s16;
	s22 =	smul.u32 @!p0 $0x700, s15  }
0x34: {  	s23 =	sxor.u32 @!p0 $0xFFFFFFFF, s16;
	s20 =	ssub.s32 @!p0 s20, s21;
	s21 =	sshll.u32 @!p0 s14, $0x4  }
0x35: {  	s23 =	sshll.u32 @!p0 s23, $0xE;
	s22 =	sadd.s32 @!p0 s2, s22;
	s21 =	sand.u32 @!p0 $0x10, s21  }
0x36: {  	s23 =	sand.u32 @!p0 $0x4000, s23;
	s20 =	sshll.u32 @!p0 s20, $0x5;
	s21 =	sadd.s32 @!p0 s21, s22  }
0x37: {  	s22 =	simm.s32 @!p0 $0x3800;
	s20 =	sadd.s32 @!p0 s20, s21;
	s21 =	simm.s32 @!p0 $0x80  }
0x38: {  	[tilespmem:s23], [sflag:$0x1] =	stream.strided.gather @!p0 [hbm4b:s20+s21], $0x4000, s22, s21, $0x38;
	[tilespmem:$0x10000] =	vst v63  }
0x39: {  	p0 =	sge.u32 s31, s8  }
.Ltmp2:
0x3a: {  	_ = 	snop;
	(pc) =	sbr.rel @p0 .LBB1_5-.Ltmp2, $1  }
0x3b: {  	_ =	sdelay $0x3  }
0x3c: {  	s20 =	sand.u32 $0x4000, s13  }
0x3d: {  	s21 =	sor.u32 $0x70, s20  }
0x3e: {  	v1 =	vmov s21;
	_ =	sdelay $0x1  }
0x3f: {  	_ =	swait.ge [sflag:s7], $0x4000  }
0x40: {  	[sflag:s7] =	ssyncset.done $0x0  }
0x41: {  	s22 =	simm.s32 $0x0;
	[sflag:s7] =	ssyncadd.s32 $0xFFFFC000  }
0x42: {  	s20 =	sor.u32 $0x8040, s20;
	v7 =	vld.idx.msk [tilespmem:v1+s22+$0x0 ss:$0x1], $0xffff  }
0x43: {  	v0 =	vmov s20;
	v8 =	vld.idx.msk [tilespmem:v1+s22+$0xFFFFFF90 ss:$0x1], $0xffff  }
0x44: {  	v6 =	vld.idx.msk [tilespmem:v1+s22+$0xFFFFFFA0 ss:$0x1], $0xffff  }
0x45: {  	v4 =	vld.idx.msk [tilespmem:v1+s22+$0xFFFFFFB0 ss:$0x1], $0xffff  }
0x46: {  	v2 =	vld.idx.msk [tilespmem:v1+s22+$0xFFFFFFC0 ss:$0x1], $0xffff  }
0x47: {  	s31 =	sshll.u32 s16, $0xE;
	v3 =	vld.idx.msk [tilespmem:v1+s22+$0xFFFFFFD0 ss:$0x1], $0xffff  }
0x48: {  	s20 =	sand.u32 $0x4000, s31;
	v5 =	vld.idx.msk [tilespmem:v1+s22+$0xFFFFFFE0 ss:$0x1], $0xffff;
	[tilespmem:v0+s22+$0x30 ss:$0x1] =	vst.idx.msk $0xffff, v7  }
0x49: {  	s23 =	simm.s32 $0x400;
	s21 =	simm.s32 $0x80;
	s20 =	sor.u32 $0x8000, s20;
	[tilespmem:v0+s22+$0xFFFFFFC0 ss:$0x1] =	vst.idx.msk $0xffff, v8;
	v7 =	vld.idx.msk [tilespmem:v1+s22+$0xFFFFFFF0 ss:$0x1], $0xffff  }
.LBB1_3:
0x4a: {  	p0 =	sne.s32 s23, $0xFE00;
	v8 =	vld.idx.msk [tilespmem:v1+s21+$0x0 ss:$0x1], $0xffff;
	[tilespmem:v0+s22+$0xFFFFFFD0 ss:$0x1] =	vst.idx.msk $0xffff, v6  }
0x4b: {  	v9 =	vld.idx.msk [tilespmem:v1+s21+$0xFFFFFF90 ss:$0x1], $0xffff;
	[tilespmem:v0+s22+$0xFFFFFFE0 ss:$0x1] =	vst.idx.msk $0xffff, v4  }
0x4c: {  	v6 =	vld.idx.msk [tilespmem:v1+s21+$0xFFFFFFA0 ss:$0x1], $0xffff;
	[tilespmem:v0+s22+$0xFFFFFFF0 ss:$0x1] =	vst.idx.msk $0xffff, v2  }
.Ltmp3:
0x4d: {  	v4 =	vld.idx.msk [tilespmem:v1+s21+$0xFFFFFFB0 ss:$0x1], $0xffff;
	[tilespmem:v0+s22+$0x0 ss:$0x1] =	vst.idx.msk $0xffff, v3;
	(pc) =	sbr.rel @p0 .LBB1_3-.Ltmp3, $4  }
0x4e: {  	v2 =	vld.idx.msk [tilespmem:v1+s21+$0xFFFFFFC0 ss:$0x1], $0xffff;
	[tilespmem:v0+s22+$0x10 ss:$0x1] =	vst.idx.msk $0xffff, v5  }
0x4f: {  	v3 =	vld.idx.msk [tilespmem:v1+s21+$0xFFFFFFD0 ss:$0x1], $0xffff;
	[tilespmem:v0+s22+$0x20 ss:$0x1] =	vst.idx.msk $0xffff, v7;
	s22 =	smov.u32 s21  }
0x50: {  	v5 =	vld.idx.msk [tilespmem:v1+s22+$0xFFFFFFE0 ss:$0x1], $0xffff;
	[tilespmem:v0+s22+$0x30 ss:$0x1] =	vst.idx.msk $0xffff, v8  }
0x51: {  	s21 =	sshra.s32 s23, $0x2;
	s23 =	sadd.s32 $0x200, s23;
	[tilespmem:v0+s22+$0xFFFFFFC0 ss:$0x1] =	vst.idx.msk $0xffff, v9;
	v7 =	vld.idx.msk [tilespmem:v1+s22+$0xFFFFFFF0 ss:$0x1], $0xffff  }
.Ltmp4:
0x52: {  	_ = 	snop;
	(pc) =	sbr.rel .LBB1_4-.Ltmp4, $1  }
0x53: {  	_ =	sdelay $0x3  }
.LBB1_6:
0x54: {  	_ =	sfence.sel $0x180000  }
0x55: {  	s2 =	simm.s32 $0x1;
	[bflag:$0x0] =	sbarrier.arrive $0xFFFF  }
0x56: {  	s31 =	simm.s32 $0x2;
	[sflag:s2] =	ssyncpa.u1 $0x1  }
0x57: {  	[sflag:s31] =	ssyncpa.u1 $0x1  }
0x58: {  	p0 =	sne.s32 s0, $0x0;
	_ =	strace $0x90000047  }
0x59: {  	s0 =	sadd.s32 @!p0 $0x100000, s1;
	[bflag:$0x2] =	sbarrier.arrive $0xFFFF  }
0x5a: {  	[sflag:s0] =	ssyncadd.tile.s32 @!p0 $0x1;
	_ =	shalt  }
.Lfunc_end1:
_tile_overlayer_lowered:
.L_overlay_start_2:
0x5b: {  	(tag) =	ssettag $0x2  }
0x5c: {  	s0 =	rddreg [dreg:$0x0];
	s2 =	stileid.u32  }
0x5d: {  	s1 =	rddreg [dreg:$0x1];
	p0 =	sne.s32 s2, $0x0  }
0x5e: {  	s3 =	rddreg [dreg:$0x2];
	[bflag:$0x3] =	sbarrier.arrive $0xFFFF;
	s2 =	simm.s32 @!p0 $0x1C01  }
0x5f: {  	[timem:s3], [sflag:s2] =	dma.local @!p0 [hbm:s0], s1  }
0x60: {  	s0 =	simm.s32 @!p0 $0x1  }
0x61: {  	_ =	swait.ge @!p0 [sflag:s0], s1  }
0x62: {  	s1 =	ssub.s32 @!p0 $0x0, s1;
	[sflag:s0] =	ssyncset.done @!p0 $0x0  }
0x63: {  	[sflag:s0] =	ssyncadd.s32 @!p0 s1  }
0x64: {  	[bflag:$0x3] =	sbarrier.arrive $0xFFFF  }
0x65: {  	_ =	shalt  }

</sc_bundles>
